<compile_context>
chip_gen: v7x
topology: tpu7x:2x2x1
jax: 0.10.2.dev20260603
libtpu: 0.0.44.dev20260713+nightly
codegen_flags: <defaults>
</compile_context>

<pallas_src>
import jax
import jax.numpy as jnp
from jax import lax
from jax.experimental import pallas as pl
from jax.experimental.pallas import tpu as pltpu
from jax.experimental.pallas import tpu_sc as plsc

_NEG_POS_RATIO = 3
_SENTINEL = 0x7F800000
_B, _N = 32, 20000
_NC, _NS, _L = 2, 16, 16


def _dense_body(cp_ref, ct_ref, lpt_ref, ltt_ref, keys_ref, svec_ref):
    ct = ct_ref[...]
    pos = ct > 0.5
    posf = pos.astype(jnp.float32)
    x = cp_ref[...]
    cls_elem = jnp.maximum(x, 0.0) - x * ct + jnp.log1p(jnp.exp(-jnp.abs(x)))
    keys = lax.bitcast_convert_type(cls_elem, jnp.int32)
    keys_ref[...] = jnp.where(pos, jnp.int32(_SENTINEL), keys)
    num_pos_f = jnp.sum(posf)
    cls_pos_sum = jnp.sum(posf * cls_elem)
    cls_all_sum = jnp.sum(cls_elem)
    loc_sum = jnp.float32(0.0)
    for comp in range(4):
        d = lpt_ref[comp] - ltt_ref[comp]
        ad = jnp.abs(d)
        sl = jnp.where(ad < 1.0, 0.5 * d * d, ad - 0.5)
        loc_sum = loc_sum + jnp.sum(posf * sl)
    svec_ref[...] = jnp.concatenate(
        [
            jnp.broadcast_to(num_pos_f, (1, 128)),
            jnp.broadcast_to(cls_pos_sum, (1, 128)),
            jnp.broadcast_to(cls_all_sum, (1, 128)),
            jnp.broadcast_to(loc_sum, (1, 128)),
        ],
        axis=0,
    )


def _lane_total(v, lane):
    dnums = lax.GatherDimensionNumbers(
        offset_dims=(), collapsed_slice_dims=(0,), start_index_map=(0,))
    for sh in (8, 4, 2, 1):
        idx = (lane ^ sh)[:, None]
        shuf = lax.gather(v, idx, dimension_numbers=dnums, slice_sizes=(1,),
                          mode=lax.GatherScatterMode.PROMISE_IN_BOUNDS)
        v = v + shuf
    return v


def _sc_select_body(keys_hbm, svec_hbm, out_hbm, keys_v, svec_v, selbuf):
    c = lax.axis_index("c")
    s = lax.axis_index("s")
    wid = s * _NC + c

    pltpu.sync_copy(svec_hbm, svec_v)
    num_pos_f = svec_v[pl.ds(0, _L)][0]
    p_i = num_pos_f.astype(jnp.int32)
    k = jnp.maximum(jnp.minimum(_NEG_POS_RATIO * p_i, _N - p_i), 0)

    selbuf[...] = jnp.zeros((_L,), jnp.float32)

    @pl.when(k > 0)
    def _():
        pltpu.sync_copy(keys_hbm.at[wid], keys_v)
        lane = lax.iota(jnp.int32, _L)
        nch = jnp.int32(_N // _L)

        def bit_step(t, carry):
            prefix, k_rem, cnt_less, sum_vec = carry
            bit = 30 - t

            def count_body(i, cc):
                c0v, s0v = cc
                v = keys_v[pl.ds(i * _L, _L)]
                m = (v >> bit) == (prefix >> bit)
                c0v = c0v + jnp.where(m, jnp.int32(1), jnp.int32(0))
                s0v = s0v + jnp.where(m, lax.bitcast_convert_type(v, jnp.float32), 0.0)
                return c0v, s0v

            c0v, s0v = lax.fori_loop(
                0, nch, count_body,
                (jnp.zeros((_L,), jnp.int32), jnp.zeros((_L,), jnp.float32)),
            )
            c0 = _lane_total(c0v, lane)[0]
            take0 = k_rem <= c0
            prefix = jnp.where(take0, prefix, prefix | (jnp.int32(1) << bit))
            addf = jnp.where(take0, 0.0, 1.0)
            sum_vec = sum_vec + s0v * jnp.broadcast_to(addf, (_L,))
            cnt_less = jnp.where(take0, cnt_less, cnt_less + c0)
            k_rem = jnp.where(take0, k_rem, k_rem - c0)
            return prefix, k_rem, cnt_less, sum_vec

        prefix, _, cnt_less, sum_vec = lax.fori_loop(
            0, 31, bit_step,
            (jnp.int32(0), k, jnp.int32(0), jnp.zeros((_L,), jnp.float32)),
        )

        v_t = lax.bitcast_convert_type(prefix, jnp.float32)
        sel = (_lane_total(sum_vec, lane)[0]
               + (k - cnt_less).astype(jnp.float32) * v_t)
        selbuf[...] = jnp.broadcast_to(sel, (_L,))

    pltpu.sync_copy(selbuf, out_hbm.at[wid])


_sc_select = pl.kernel(
    _sc_select_body,
    out_type=jax.ShapeDtypeStruct((_B, _L), jnp.float32),
    mesh=plsc.VectorSubcoreMesh(
        core_axis_name="c", subcore_axis_name="s",
        num_cores=_NC, num_subcores=_NS,
    ),
    scratch_types=[
        pltpu.VMEM((_N,), jnp.int32),
        pltpu.VMEM((512,), jnp.float32),
        pltpu.VMEM((_L,), jnp.float32),
    ],
)


def _combine_body(svec_ref, rowsel_ref, out_ref):
    sv = svec_ref[...]
    num_pos_f = jnp.max(sv[0:1, :])
    cls_pos_sum = jnp.max(sv[1:2, :])
    cls_all_sum = jnp.max(sv[2:3, :])
    loc_sum = jnp.max(sv[3:4, :])
    sel_total = jnp.sum(rowsel_ref[...]) * (1.0 / _L)
    num_pos_safe = jnp.maximum(num_pos_f, 1.0)
    total = (loc_sum + cls_pos_sum + sel_total) / num_pos_safe
    zero_branch = cls_all_sum / jnp.float32(_B * _N)
    result = jnp.where(num_pos_f == 0.0, zero_branch, total)
    out_ref[...] = jnp.broadcast_to(result, (1, 1))


def kernel(loc_preds, loc_targets, cls_preds, cls_targets):
    lpt = jnp.transpose(loc_preds, (2, 0, 1))
    ltt = jnp.transpose(loc_targets, (2, 0, 1))
    keys, svec = pl.pallas_call(
        _dense_body,
        out_shape=[
            jax.ShapeDtypeStruct((_B, _N), jnp.int32),
            jax.ShapeDtypeStruct((4, 128), jnp.float32),
        ],
    )(cls_preds, cls_targets, lpt, ltt)
    rowsel = _sc_select(keys, svec.reshape(512))
    out = pl.pallas_call(
        _combine_body,
        out_shape=jax.ShapeDtypeStruct((1, 1), jnp.float32),
    )(svec, rowsel)
    return out[0, 0]

# --- scband reference (transcript-rebuilt; emitter-appended) ---
"""Pipeline reference for scband-ssdloss-30391188586540 (READ-ONLY COPY).

The authoritative reference and input builder live on the scoring server;
editing this copy changes nothing except your own understanding.
"""

import jax, jax.numpy as jnp
import numpy as np

NEG_POS_RATIO = 3

def _bce_logits(x, z):
    # binary_cross_entropy_with_logits, elementwise, numerically stable
    return jnp.maximum(x, 0.0) - x * z + jnp.log1p(jnp.exp(-jnp.abs(x)))

def _smooth_l1(a, b):
    d = a - b
    ad = jnp.abs(d)
    return jnp.where(ad < 1.0, 0.5 * d * d, ad - 0.5)

def setup_inputs(seed: int = 0) -> dict:
    key = jax.random.key(seed)
    k1, k2, k3, k4 = jax.random.split(key, 4)
    B, N = 32, 20000
    return {
        'loc_preds': jax.random.normal(k1, (B, N, 4), dtype=jnp.float32),
        'loc_targets': jax.random.normal(k2, (B, N, 4), dtype=jnp.float32),
        'cls_preds': jax.random.normal(k3, (B, N), dtype=jnp.float32),
        'cls_targets': jax.random.uniform(k4, (B, N), dtype=jnp.float32),
    }

def reference(loc_preds, loc_targets, cls_preds, cls_targets):
    pos_mask = (cls_targets > 0.5).astype(jnp.float32)
    num_pos = jnp.sum(pos_mask)
    num_pos_safe = jnp.maximum(num_pos, 1.0)

    # localization loss on positives only
    pm = pos_mask[..., None]
    loc_loss = jnp.sum(_smooth_l1(loc_preds * pm, loc_targets * pm)) / num_pos_safe

    # per-anchor classification loss
    cls_elem = _bce_logits(cls_preds, cls_targets)

    # hard negative mining (no-grad in original; sort-based rank per row)
    loss = -jax.lax.stop_gradient(cls_elem)
    loss = jnp.where(pos_mask > 0, -jnp.inf, loss)
    loss_idx = jnp.argsort(-loss, axis=1)   # descending sort indices
    idx_rank = jnp.argsort(loss_idx, axis=1)
    N = pos_mask.shape[1]
    num_neg = jnp.minimum(NEG_POS_RATIO * num_pos, N - num_pos)
    num_neg = jnp.maximum(num_neg, 0.0)
    neg_mask = idx_rank.astype(jnp.float32) < num_neg

    cls_weight = jnp.where(neg_mask | (pos_mask > 0), 1.0, 0.0)
    cls_loss = jnp.sum(cls_elem * cls_weight) / num_pos_safe

    total = loc_loss + cls_loss
    zero_pos_branch = jnp.mean(cls_elem)
    return jnp.where(num_pos == 0, zero_pos_branch, total)

if __name__ == "__main__":
    import jax
    _d = setup_inputs()
    print(jax.jit(kernel)(*tuple(_d.values())))

</pallas_src>

<mosaic_0001>
#map = affine_map<(d0, d1) -> (0, 0)>
#map1 = affine_map<(d0, d1) -> (0)>
module attributes {stable_mosaic.version = 14 : i64} {
  func.func @_sc_select_body(%arg0: i32, %arg1: i32, %arg2: memref<32x20000xi32, #tpu.memory_space<hbm>>, %arg3: memref<512xf32, #tpu.memory_space<hbm>>, %arg4: memref<32x16xf32, #tpu.memory_space<hbm>>, %arg5: memref<20000xi32, #tpu.memory_space<vmem>>, %arg6: memref<512xf32, #tpu.memory_space<vmem>>, %arg7: memref<16xf32, #tpu.memory_space<vmem>>) attributes {dimension_semantics = [#tpu.dimension_semantics<core_parallel>, #tpu.dimension_semantics<subcore_parallel>], iteration_bounds = array<i64: 2, 16>, scalar_prefetch = 0 : i64, scratch_operands = 3 : i64, tpu.core_type = #tpu.core_type<sc_vector_subcore>, window_params = [{transform_indices = #map}, {transform_indices = #map1}, {transform_indices = #map}]} {
    %mul3A = arith.constant 2 : i32
    %mul3A_0 = arith.muli %arg1, %mul3A : i32
    %add3A = arith.addi %mul3A_0, %arg0 : i32
    "tpu.region"() ({
      %run_scoped3A = tpu.sem_alloc : memref<!tpu.dma_semaphore, #tpu.memory_space<semaphore_mem>>
      tpu.enqueue_dma source(%arg3 : memref<512xf32, #tpu.memory_space<hbm>>) target(%arg6 : memref<512xf32, #tpu.memory_space<vmem>>) target_semaphore(%run_scoped3A : memref<!tpu.dma_semaphore, #tpu.memory_space<semaphore_mem>>)
      tpu.wait_dma2 semaphore(%run_scoped3A : memref<!tpu.dma_semaphore, #tpu.memory_space<semaphore_mem>>) src(%arg3 : memref<512xf32, #tpu.memory_space<hbm>>) dst(%arg6 : memref<512xf32, #tpu.memory_space<vmem>>)
      tpu.yield
    }) : () -> ()
    %get3A = arith.constant 0 : index
    %get3A_1 = tpu.vector_load %arg6[%get3A] {strides = array<i32>} : memref<512xf32, #tpu.memory_space<vmem>>, vector<16xf32>,
    %get3A_2 = vector.shape_cast %get3A_1 : vector<16xf32> to vector<16xf32>
    %slice3A = vector.extract_strided_slice %get3A_2 {offsets = [0], sizes = [1], strides = [1]} : vector<16xf32> to vector<1xf32>
    %squeeze3A = vector.extract %slice3A[0] : f32 from vector<1xf32>
    %convert_element_type3A = arith.fptosi %squeeze3A : f32 to i32
    %mul3A_3 = arith.constant 3 : i32
    %mul3A_4 = arith.muli %mul3A_3, %convert_element_type3A : i32
    %sub3A = arith.constant 20000 : i32
    %sub3A_5 = arith.subi %sub3A, %convert_element_type3A : i32
    %min3A = arith.minsi %mul3A_4, %sub3A_5 : i32
    %max3A = arith.constant 0 : i32
    %max3A_6 = arith.maxsi %min3A, %max3A : i32
    %broadcast_in_dim3A = arith.constant 0.000000e+00 : f32
    %broadcast_in_dim3A_7 = vector.broadcast %broadcast_in_dim3A : f32 to vector<16xf32>
    %swap3A = arith.constant 0 : index
    %swap3A_8 = tpu.vector_load %arg7[%swap3A] {strides = array<i32>} : memref<16xf32, #tpu.memory_space<vmem>>, vector<16xf32>,
    %swap3A_9 = vector.shape_cast %swap3A_8 : vector<16xf32> to vector<16xf32>
    %swap3A_10 = vector.shape_cast %broadcast_in_dim3A_7 : vector<16xf32> to vector<16xf32>
    tpu.vector_store %arg7[%swap3A], %swap3A_10 {strides = array<i32>} : memref<16xf32, #tpu.memory_space<vmem>>, vector<16xf32>,
    %gt3A = arith.constant 0 : i32
    %gt3A_11 = arith.cmpi sgt, %max3A_6, %gt3A : i32
    %convert_element_type3A_12 = arith.extui %gt3A_11 : i1 to i32
    %cond3A = arith.constant 0 : i32
    %cond3A_13 = arith.cmpi ne, %convert_element_type3A_12, %cond3A : i32
    scf.if %cond3A_13 {
      "tpu.region"() ({
        %run_scoped3A = tpu.sem_alloc : memref<!tpu.dma_semaphore, #tpu.memory_space<semaphore_mem>>
        %dma_start3A = arith.constant 0 : i32
        %dma_start3A_61 = tpu.memref_slice %arg2[%add3A, %dma_start3A] : memref<32x20000xi32, #tpu.memory_space<hbm>> -> memref<1x20000xi32, #tpu.memory_space<hbm>>
        %dma_start3A_62 = tpu.memref_squeeze %dma_start3A_61 : memref<1x20000xi32, #tpu.memory_space<hbm>> -> memref<20000xi32, #tpu.memory_space<hbm>>
        %dma_start3A_63 = arith.constant 0 : i32
        %dma_start3A_64 = tpu.memref_slice %arg2[%add3A, %dma_start3A_63] : memref<32x20000xi32, #tpu.memory_space<hbm>> -> memref<1x20000xi32, #tpu.memory_space<hbm>>
        %dma_start3A_65 = tpu.memref_squeeze %dma_start3A_64 : memref<1x20000xi32, #tpu.memory_space<hbm>> -> memref<20000xi32, #tpu.memory_space<hbm>>
        tpu.enqueue_dma source(%dma_start3A_65 : memref<20000xi32, #tpu.memory_space<hbm>>) target(%arg5 : memref<20000xi32, #tpu.memory_space<vmem>>) target_semaphore(%run_scoped3A : memref<!tpu.dma_semaphore, #tpu.memory_space<semaphore_mem>>)
        %dma_wait3A = arith.constant 0 : i32
        %dma_wait3A_66 = tpu.memref_slice %arg2[%add3A, %dma_wait3A] : memref<32x20000xi32, #tpu.memory_space<hbm>> -> memref<1x20000xi32, #tpu.memory_space<hbm>>
        %dma_wait3A_67 = tpu.memref_squeeze %dma_wait3A_66 : memref<1x20000xi32, #tpu.memory_space<hbm>> -> memref<20000xi32, #tpu.memory_space<hbm>>
        %dma_wait3A_68 = arith.constant 0 : i32
        %dma_wait3A_69 = tpu.memref_slice %arg2[%add3A, %dma_wait3A_68] : memref<32x20000xi32, #tpu.memory_space<hbm>> -> memref<1x20000xi32, #tpu.memory_space<hbm>>
        %dma_wait3A_70 = tpu.memref_squeeze %dma_wait3A_69 : memref<1x20000xi32, #tpu.memory_space<hbm>> -> memref<20000xi32, #tpu.memory_space<hbm>>
        tpu.wait_dma2 semaphore(%run_scoped3A : memref<!tpu.dma_semaphore, #tpu.memory_space<semaphore_mem>>) src(%dma_wait3A_70 : memref<20000xi32, #tpu.memory_space<hbm>>) dst(%arg5 : memref<20000xi32, #tpu.memory_space<vmem>>)
        tpu.yield
      }) : () -> ()
      %iota3A = tpu.iota {dimensions = array<i32: 0>} : vector<16xi32>
      %broadcast_in_dim3A_14 = arith.constant 0.000000e+00 : f32
      %broadcast_in_dim3A_15 = vector.broadcast %broadcast_in_dim3A_14 : f32 to vector<16xf32>
      %scan3A = arith.constant 1250 : i32
      %scan3A_16 = arith.constant 0 : i32
      %scan3A_17 = arith.constant 0 : i32
      %scan3A_18 = arith.constant 0 : i32
      %scan3A_19 = arith.constant 31 : i32
      %scan3A_20 = arith.addi %scan3A_18, %scan3A_19 : i32
      %scan3A_21 = arith.constant 1 : i32
      %scan3A_22:4 = scf.for %scan3A_61 = %scan3A_18 to %scan3A_20 step %scan3A_21 iter_args(%scan3A_62 = %scan3A_16, %scan3A_63 = %max3A_6, %scan3A_64 = %scan3A_17, %scan3A_65 = %broadcast_in_dim3A_15) -> (i32, i32, i32, vector<16xf32>)  : i32 {
        %sub3A_66 = arith.constant 30 : i32
        %sub3A_67 = arith.subi %sub3A_66, %scan3A_61 : i32
        %broadcast_in_dim3A_68 = arith.constant 0 : i32
        %broadcast_in_dim3A_69 = vector.broadcast %broadcast_in_dim3A_68 : i32 to vector<16xi32>
        %broadcast_in_dim3A_70 = arith.constant 0.000000e+00 : f32
        %broadcast_in_dim3A_71 = vector.broadcast %broadcast_in_dim3A_70 : f32 to vector<16xf32>
        %while3A = arith.constant 0 : i32
        %while3A_72 = arith.subi %scan3A, %while3A : i32
        %while3A_73 = arith.addi %while3A, %while3A_72 : i32
        %while3A_74 = arith.constant 1 : i32
        %while3A_75 = arith.divsi %while3A_72, %while3A_74 : i32
        %while3A_76 = arith.muli %while3A_75, %while3A_74 : i32
        %while3A_77 = arith.addi %while3A, %while3A_76 : i32
        %while3A_78 = arith.constant 1 : i32
        %while3A_79:2 = scf.for %while3A_122 = %while3A to %while3A_77 step %while3A_78 iter_args(%while3A_123 = %broadcast_in_dim3A_69, %while3A_124 = %broadcast_in_dim3A_71) -> (vector<16xi32>, vector<16xf32>)  : i32 {
          %mul3A_125 = arith.constant 16 : i32
          %mul3A_126 = arith.muli %while3A_122, %mul3A_125 : i32
          %get3A_127 = arith.index_cast %mul3A_126 : i32 to index
          %get3A_128 = tpu.vector_load %arg5[%get3A_127] {strides = array<i32>} : memref<20000xi32, #tpu.memory_space<vmem>>, vector<16xi32>,
          %get3A_129 = vector.shape_cast %get3A_128 : vector<16xi32> to vector<16xi32>
          %shift_right_arithmetic3A = vector.broadcast %sub3A_67 : i32 to vector<16xi32>
          %shift_right_arithmetic3A_130 = arith.shrsi %get3A_129, %shift_right_arithmetic3A : vector<16xi32>
          %shift_right_arithmetic3A_131 = arith.shrsi %scan3A_62, %sub3A_67 : i32
          %eq3A = vector.broadcast %shift_right_arithmetic3A_131 : i32 to vector<16xi32>
          %eq3A_132 = arith.cmpi eq, %shift_right_arithmetic3A_130, %eq3A : vector<16xi32>
          %jit3A_133 = arith.constant 1 : i32
          %jit3A_134 = arith.constant 0 : i32
          %broadcast_in_dim3A_135 = vector.broadcast %jit3A_133 : i32 to vector<16xi32>
          %broadcast_in_dim3A_136 = vector.broadcast %jit3A_134 : i32 to vector<16xi32>
          %select_n3A_137 = arith.select %eq3A_132, %broadcast_in_dim3A_135, %broadcast_in_dim3A_136 : vector<16xi1>, vector<16xi32>
          %add3A_138 = arith.addi %while3A_123, %select_n3A_137 : vector<16xi32>
          %bitcast_convert_type3A_139 = tpu.bitcast %get3A_129 : vector<16xi32> -> vector<16xf32>
          %jit3A_140 = arith.constant 0.000000e+00 : f32
          %broadcast_in_dim3A_141 = vector.broadcast %jit3A_140 : f32 to vector<16xf32>
          %select_n3A_142 = arith.select %eq3A_132, %bitcast_convert_type3A_139, %broadcast_in_dim3A_141 : vector<16xi1>, vector<16xf32>
          %add3A_143 = arith.addf %while3A_124, %select_n3A_142 : vector<16xf32>
          scf.yield %add3A_138, %add3A_143 : vector<16xi32>, vector<16xf32>
        }
        %while3A_80 = arith.constant 1 : i32
        %while3A_81:2 = scf.for %while3A_122 = %while3A_77 to %while3A_73 step %while3A_80 iter_args(%while3A_123 = %while3A_79#0, %while3A_124 = %while3A_79#1) -> (vector<16xi32>, vector<16xf32>)  : i32 {
          %mul3A_125 = arith.constant 16 : i32
          %mul3A_126 = arith.muli %while3A_122, %mul3A_125 : i32
          %get3A_127 = arith.index_cast %mul3A_126 : i32 to index
          %get3A_128 = tpu.vector_load %arg5[%get3A_127] {strides = array<i32>} : memref<20000xi32, #tpu.memory_space<vmem>>, vector<16xi32>,
          %get3A_129 = vector.shape_cast %get3A_128 : vector<16xi32> to vector<16xi32>
          %shift_right_arithmetic3A = vector.broadcast %sub3A_67 : i32 to vector<16xi32>
          %shift_right_arithmetic3A_130 = arith.shrsi %get3A_129, %shift_right_arithmetic3A : vector<16xi32>
          %shift_right_arithmetic3A_131 = arith.shrsi %scan3A_62, %sub3A_67 : i32
          %eq3A = vector.broadcast %shift_right_arithmetic3A_131 : i32 to vector<16xi32>
          %eq3A_132 = arith.cmpi eq, %shift_right_arithmetic3A_130, %eq3A : vector<16xi32>
          %jit3A_133 = arith.constant 1 : i32
          %jit3A_134 = arith.constant 0 : i32
          %broadcast_in_dim3A_135 = vector.broadcast %jit3A_133 : i32 to vector<16xi32>
          %broadcast_in_dim3A_136 = vector.broadcast %jit3A_134 : i32 to vector<16xi32>
          %select_n3A_137 = arith.select %eq3A_132, %broadcast_in_dim3A_135, %broadcast_in_dim3A_136 : vector<16xi1>, vector<16xi32>
          %add3A_138 = arith.addi %while3A_123, %select_n3A_137 : vector<16xi32>
          %bitcast_convert_type3A_139 = tpu.bitcast %get3A_129 : vector<16xi32> -> vector<16xf32>
          %jit3A_140 = arith.constant 0.000000e+00 : f32
          %broadcast_in_dim3A_141 = vector.broadcast %jit3A_140 : f32 to vector<16xf32>
          %select_n3A_142 = arith.select %eq3A_132, %bitcast_convert_type3A_139, %broadcast_in_dim3A_141 : vector<16xi1>, vector<16xf32>
          %add3A_143 = arith.addf %while3A_124, %select_n3A_142 : vector<16xf32>
          scf.yield %add3A_138, %add3A_143 : vector<16xi32>, vector<16xf32>
        }
        %xor3A_82 = arith.constant 8 : i32
        %xor3A_83 = vector.broadcast %xor3A_82 : i32 to vector<16xi32>
        %xor3A_84 = arith.xori %iota3A, %xor3A_83 : vector<16xi32>
        %broadcast_in_dim3A_85 = vector.shape_cast %xor3A_84 : vector<16xi32> to vector<16x1xi32>
        %gather3A_86 = vector.shape_cast %broadcast_in_dim3A_85 : vector<16x1xi32> to vector<16xi32>
        %gather3A_87 = tpu.dynamic_gather %while3A_81#0[%gather3A_86] in [0] : vector<16xi32>, vector<16xi32> -> vector<16xi32>
        %add3A_88 = arith.addi %while3A_81#0, %gather3A_87 : vector<16xi32>
        %xor3A_89 = arith.constant 4 : i32
        %xor3A_90 = vector.broadcast %xor3A_89 : i32 to vector<16xi32>
        %xor3A_91 = arith.xori %iota3A, %xor3A_90 : vector<16xi32>
        %broadcast_in_dim3A_92 = vector.shape_cast %xor3A_91 : vector<16xi32> to vector<16x1xi32>
        %gather3A_93 = vector.shape_cast %broadcast_in_dim3A_92 : vector<16x1xi32> to vector<16xi32>
        %gather3A_94 = tpu.dynamic_gather %add3A_88[%gather3A_93] in [0] : vector<16xi32>, vector<16xi32> -> vector<16xi32>
        %add3A_95 = arith.addi %add3A_88, %gather3A_94 : vector<16xi32>
        %xor3A_96 = arith.constant 2 : i32
        %xor3A_97 = vector.broadcast %xor3A_96 : i32 to vector<16xi32>
        %xor3A_98 = arith.xori %iota3A, %xor3A_97 : vector<16xi32>
        %broadcast_in_dim3A_99 = vector.shape_cast %xor3A_98 : vector<16xi32> to vector<16x1xi32>
        %gather3A_100 = vector.shape_cast %broadcast_in_dim3A_99 : vector<16x1xi32> to vector<16xi32>
        %gather3A_101 = tpu.dynamic_gather %add3A_95[%gather3A_100] in [0] : vector<16xi32>, vector<16xi32> -> vector<16xi32>
        %add3A_102 = arith.addi %add3A_95, %gather3A_101 : vector<16xi32>
        %xor3A_103 = arith.constant 1 : i32
        %xor3A_104 = vector.broadcast %xor3A_103 : i32 to vector<16xi32>
        %xor3A_105 = arith.xori %iota3A, %xor3A_104 : vector<16xi32>
        %broadcast_in_dim3A_106 = vector.shape_cast %xor3A_105 : vector<16xi32> to vector<16x1xi32>
        %gather3A_107 = vector.shape_cast %broadcast_in_dim3A_106 : vector<16x1xi32> to vector<16xi32>
        %gather3A_108 = tpu.dynamic_gather %add3A_102[%gather3A_107] in [0] : vector<16xi32>, vector<16xi32> -> vector<16xi32>
        %add3A_109 = arith.addi %add3A_102, %gather3A_108 : vector<16xi32>
        %slice3A_110 = vector.extract_strided_slice %add3A_109 {offsets = [0], sizes = [1], strides = [1]} : vector<16xi32> to vector<1xi32>
        %squeeze3A_111 = vector.extract %slice3A_110[0] : i32 from vector<1xi32>
        %le3A = arith.cmpi sle, %scan3A_63, %squeeze3A_111 : i32
        %shift_left3A = arith.constant 1 : i32
        %shift_left3A_112 = arith.shli %shift_left3A, %sub3A_67 : i32
        %or3A = arith.ori %scan3A_62, %shift_left3A_112 : i32
        %select_n3A = arith.select %le3A, %scan3A_62, %or3A : i32
        %jit3A = arith.constant 0.000000e+00 : f32
        %jit3A_113 = arith.constant 1.000000e+00 : f32
        %select_n3A_114 = arith.select %le3A, %jit3A, %jit3A_113 : f32
        %broadcast_in_dim3A_115 = vector.broadcast %select_n3A_114 : f32 to vector<16xf32>
        %mul3A_116 = arith.mulf %while3A_81#1, %broadcast_in_dim3A_115 : vector<16xf32>
        %add3A_117 = arith.addf %scan3A_65, %mul3A_116 : vector<16xf32>
        %add3A_118 = arith.addi %scan3A_64, %squeeze3A_111 : i32
        %select_n3A_119 = arith.select %le3A, %scan3A_64, %add3A_118 : i32
        %sub3A_120 = arith.subi %scan3A_63, %squeeze3A_111 : i32
        %select_n3A_121 = arith.select %le3A, %scan3A_63, %sub3A_120 : i32
        scf.yield %select_n3A, %select_n3A_121, %select_n3A_119, %add3A_117 : i32, i32, i32, vector<16xf32>
      }
      %scan3A_23 = arith.constant 31 : i32
      %bitcast_convert_type3A = arith.bitcast %scan3A_22#0 : i32 to f32
      %xor3A = arith.constant 8 : i32
      %xor3A_24 = vector.broadcast %xor3A : i32 to vector<16xi32>
      %xor3A_25 = arith.xori %iota3A, %xor3A_24 : vector<16xi32>
      %broadcast_in_dim3A_26 = vector.shape_cast %xor3A_25 : vector<16xi32> to vector<16x1xi32>
      %gather3A = vector.shape_cast %broadcast_in_dim3A_26 : vector<16x1xi32> to vector<16xi32>
      %gather3A_27 = tpu.dynamic_gather %scan3A_22#3[%gather3A] in [0] : vector<16xf32>, vector<16xi32> -> vector<16xf32>
      %add3A_28 = arith.addf %scan3A_22#3, %gather3A_27 : vector<16xf32>
      %xor3A_29 = arith.constant 4 : i32
      %xor3A_30 = vector.broadcast %xor3A_29 : i32 to vector<16xi32>
      %xor3A_31 = arith.xori %iota3A, %xor3A_30 : vector<16xi32>
      %broadcast_in_dim3A_32 = vector.shape_cast %xor3A_31 : vector<16xi32> to vector<16x1xi32>
      %gather3A_33 = vector.shape_cast %broadcast_in_dim3A_32 : vector<16x1xi32> to vector<16xi32>
      %gather3A_34 = tpu.dynamic_gather %add3A_28[%gather3A_33] in [0] : vector<16xf32>, vector<16xi32> -> vector<16xf32>
      %add3A_35 = arith.addf %add3A_28, %gather3A_34 : vector<16xf32>
      %xor3A_36 = arith.constant 2 : i32
      %xor3A_37 = vector.broadcast %xor3A_36 : i32 to vector<16xi32>
      %xor3A_38 = arith.xori %iota3A, %xor3A_37 : vector<16xi32>
      %broadcast_in_dim3A_39 = vector.shape_cast %xor3A_38 : vector<16xi32> to vector<16x1xi32>
      %gather3A_40 = vector.shape_cast %broadcast_in_dim3A_39 : vector<16x1xi32> to vector<16xi32>
      %gather3A_41 = tpu.dynamic_gather %add3A_35[%gather3A_40] in [0] : vector<16xf32>, vector<16xi32> -> vector<16xf32>
      %add3A_42 = arith.addf %add3A_35, %gather3A_41 : vector<16xf32>
      %xor3A_43 = arith.constant 1 : i32
      %xor3A_44 = vector.broadcast %xor3A_43 : i32 to vector<16xi32>
      %xor3A_45 = arith.xori %iota3A, %xor3A_44 : vector<16xi32>
      %broadcast_in_dim3A_46 = vector.shape_cast %xor3A_45 : vector<16xi32> to vector<16x1xi32>
      %gather3A_47 = vector.shape_cast %broadcast_in_dim3A_46 : vector<16x1xi32> to vector<16xi32>
      %gather3A_48 = tpu.dynamic_gather %add3A_42[%gather3A_47] in [0] : vector<16xf32>, vector<16xi32> -> vector<16xf32>
      %add3A_49 = arith.addf %add3A_42, %gather3A_48 : vector<16xf32>
      %slice3A_50 = vector.extract_strided_slice %add3A_49 {offsets = [0], sizes = [1], strides = [1]} : vector<16xf32> to vector<1xf32>
      %squeeze3A_51 = vector.extract %slice3A_50[0] : f32 from vector<1xf32>
      %sub3A_52 = arith.subi %max3A_6, %scan3A_22#2 : i32
      %convert_element_type3A_53 = arith.sitofp %sub3A_52 : i32 to f32
      %mul3A_54 = arith.mulf %convert_element_type3A_53, %bitcast_convert_type3A : f32
      %add3A_55 = arith.addf %squeeze3A_51, %mul3A_54 : f32
      %broadcast_in_dim3A_56 = vector.broadcast %add3A_55 : f32 to vector<16xf32>
      %swap3A_57 = arith.constant 0 : index
      %swap3A_58 = tpu.vector_load %arg7[%swap3A_57] {strides = array<i32>} : memref<16xf32, #tpu.memory_space<vmem>>, vector<16xf32>,
      %swap3A_59 = vector.shape_cast %swap3A_58 : vector<16xf32> to vector<16xf32>
      %swap3A_60 = vector.shape_cast %broadcast_in_dim3A_56 : vector<16xf32> to vector<16xf32>
      tpu.vector_store %arg7[%swap3A_57], %swap3A_60 {strides = array<i32>} : memref<16xf32, #tpu.memory_space<vmem>>, vector<16xf32>,
    } else {
    }
    "tpu.region"() ({
      %run_scoped3A = tpu.sem_alloc : memref<!tpu.dma_semaphore, #tpu.memory_space<semaphore_mem>>
      %dma_start3A = arith.constant 0 : i32
      %dma_start3A_14 = tpu.memref_slice %arg4[%add3A, %dma_start3A] : memref<32x16xf32, #tpu.memory_space<hbm>> -> memref<1x16xf32, #tpu.memory_space<hbm>>
      %dma_start3A_15 = tpu.memref_squeeze %dma_start3A_14 : memref<1x16xf32, #tpu.memory_space<hbm>> -> memref<16xf32, #tpu.memory_space<hbm>>
      %dma_start3A_16 = arith.constant 0 : i32
      %dma_start3A_17 = tpu.memref_slice %arg4[%add3A, %dma_start3A_16] : memref<32x16xf32, #tpu.memory_space<hbm>> -> memref<1x16xf32, #tpu.memory_space<hbm>>
      %dma_start3A_18 = tpu.memref_squeeze %dma_start3A_17 : memref<1x16xf32, #tpu.memory_space<hbm>> -> memref<16xf32, #tpu.memory_space<hbm>>
      tpu.enqueue_dma source(%arg7 : memref<16xf32, #tpu.memory_space<vmem>>) target(%dma_start3A_18 : memref<16xf32, #tpu.memory_space<hbm>>) target_semaphore(%run_scoped3A : memref<!tpu.dma_semaphore, #tpu.memory_space<semaphore_mem>>)
      %dma_wait3A = arith.constant 0 : i32
      %dma_wait3A_19 = tpu.memref_slice %arg4[%add3A, %dma_wait3A] : memref<32x16xf32, #tpu.memory_space<hbm>> -> memref<1x16xf32, #tpu.memory_space<hbm>>
      %dma_wait3A_20 = tpu.memref_squeeze %dma_wait3A_19 : memref<1x16xf32, #tpu.memory_space<hbm>> -> memref<16xf32, #tpu.memory_space<hbm>>
      %dma_wait3A_21 = arith.constant 0 : i32
      %dma_wait3A_22 = tpu.memref_slice %arg4[%add3A, %dma_wait3A_21] : memref<32x16xf32, #tpu.memory_space<hbm>> -> memref<1x16xf32, #tpu.memory_space<hbm>>
      %dma_wait3A_23 = tpu.memref_squeeze %dma_wait3A_22 : memref<1x16xf32, #tpu.memory_space<hbm>> -> memref<16xf32, #tpu.memory_space<hbm>>
      tpu.wait_dma2 semaphore(%run_scoped3A : memref<!tpu.dma_semaphore, #tpu.memory_space<semaphore_mem>>) src(%arg7 : memref<16xf32, #tpu.memory_space<vmem>>) dst(%dma_wait3A_23 : memref<16xf32, #tpu.memory_space<hbm>>)
      tpu.yield
    }) : () -> ()
    return
  }
}

module attributes {stable_mosaic.version = 14 : i64} {
  func.func @_dense_body(%arg0: memref<32x20000xf32, #tpu.memory_space<vmem>>, %arg1: memref<32x20000xf32, #tpu.memory_space<vmem>>, %arg2: memref<4x32x20000xf32, #tpu.memory_space<vmem>>, %arg3: memref<4x32x20000xf32, #tpu.memory_space<vmem>>, %arg4: memref<32x20000xi32, #tpu.memory_space<vmem>>, %arg5: memref<4x128xf32, #tpu.memory_space<vmem>>) attributes {dimension_semantics = [], scalar_prefetch = 0 : i64, scratch_operands = 0 : i64, tpu.core_type = #tpu.core_type<tc>} {
    %get3A = arith.constant 0 : index
    %get3A_0 = arith.constant 0 : index
    %get3A_1 = vector.load %arg1[%get3A, %get3A_0] : memref<32x20000xf32, #tpu.memory_space<vmem>>, vector<32x20000xf32>
    %gt3A = arith.constant 5.000000e-01 : f32
    %gt3A_2 = vector.broadcast %gt3A : f32 to vector<32x20000xf32>
    %gt3A_3 = arith.cmpf ogt, %get3A_1, %gt3A_2 : vector<32x20000xf32>
    %convert_element_type3A = arith.extui %gt3A_3 : vector<32x20000xi1> to vector<32x20000xi32>
    %convert_element_type3A_4 = arith.sitofp %convert_element_type3A : vector<32x20000xi32> to vector<32x20000xf32>
    %get3A_5 = arith.constant 0 : index
    %get3A_6 = arith.constant 0 : index
    %get3A_7 = vector.load %arg0[%get3A_5, %get3A_6] : memref<32x20000xf32, #tpu.memory_space<vmem>>, vector<32x20000xf32>
    %max3A = arith.constant 0.000000e+00 : f32
    %max3A_8 = vector.broadcast %max3A : f32 to vector<32x20000xf32>
    %max3A_9 = arith.maximumf %get3A_7, %max3A_8 : vector<32x20000xf32>
    %mul3A = arith.mulf %get3A_7, %get3A_1 : vector<32x20000xf32>
    %sub3A = arith.subf %max3A_9, %mul3A : vector<32x20000xf32>
    %abs3A = math.absf %get3A_7 : vector<32x20000xf32>
    %neg3A = arith.constant 0.000000e+00 : f32
    %neg3A_10 = vector.broadcast %neg3A : f32 to vector<32x20000xf32>
    %neg3A_11 = arith.subf %neg3A_10, %abs3A : vector<32x20000xf32>
    %exp3A = math.exp %neg3A_11 : vector<32x20000xf32>
    %log1p3A = math.log1p %exp3A : vector<32x20000xf32>
    %add3A = arith.addf %sub3A, %log1p3A : vector<32x20000xf32>
    %bitcast_convert_type3A = tpu.bitcast %add3A : vector<32x20000xf32> -> vector<32x20000xi32>
    %jit3A = arith.constant 2139095040 : i32
    %broadcast_in_dim3A = vector.broadcast %jit3A : i32 to vector<32x20000xi32>
    %select_n3A = arith.select %gt3A_3, %broadcast_in_dim3A, %bitcast_convert_type3A : vector<32x20000xi1>, vector<32x20000xi32>
    %swap3A = arith.constant 0 : index
    %swap3A_12 = arith.constant 0 : index
    %swap3A_13 = vector.load %arg4[%swap3A, %swap3A_12] : memref<32x20000xi32, #tpu.memory_space<vmem>>, vector<32x20000xi32>
    tpu.vector_store %arg4[%swap3A, %swap3A_12], %select_n3A {strides = array<i32>} : memref<32x20000xi32, #tpu.memory_space<vmem>>, vector<32x20000xi32>,
    %reduce_sum3A = vector.shape_cast %convert_element_type3A_4 : vector<32x20000xf32> to vector<1x32x20000xf32>
    %reduce_sum3A_14 = arith.constant dense<0.000000e+00> : vector<1xf32>
    %reduce_sum3A_15 = vector.multi_reduction <add>, %reduce_sum3A, %reduce_sum3A_14 [1, 2] : vector<1x32x20000xf32> to vector<1xf32>
    %reduce_sum3A_16 = vector.shape_cast %reduce_sum3A_15 : vector<1xf32> to vector<1x1x1xf32>
    %reduce_sum3A_17 = vector.extract %reduce_sum3A_16[0, 0, 0] : f32 from vector<1x1x1xf32>
    %mul3A_18 = arith.mulf %convert_element_type3A_4, %add3A : vector<32x20000xf32>
    %reduce_sum3A_19 = vector.shape_cast %mul3A_18 : vector<32x20000xf32> to vector<1x32x20000xf32>
    %reduce_sum3A_20 = arith.constant dense<0.000000e+00> : vector<1xf32>
    %reduce_sum3A_21 = vector.multi_reduction <add>, %reduce_sum3A_19, %reduce_sum3A_20 [1, 2] : vector<1x32x20000xf32> to vector<1xf32>
    %reduce_sum3A_22 = vector.shape_cast %reduce_sum3A_21 : vector<1xf32> to vector<1x1x1xf32>
    %reduce_sum3A_23 = vector.extract %reduce_sum3A_22[0, 0, 0] : f32 from vector<1x1x1xf32>
    %reduce_sum3A_24 = vector.shape_cast %add3A : vector<32x20000xf32> to vector<1x32x20000xf32>
    %reduce_sum3A_25 = arith.constant dense<0.000000e+00> : vector<1xf32>
    %reduce_sum3A_26 = vector.multi_reduction <add>, %reduce_sum3A_24, %reduce_sum3A_25 [1, 2] : vector<1x32x20000xf32> to vector<1xf32>
    %reduce_sum3A_27 = vector.shape_cast %reduce_sum3A_26 : vector<1xf32> to vector<1x1x1xf32>
    %reduce_sum3A_28 = vector.extract %reduce_sum3A_27[0, 0, 0] : f32 from vector<1x1x1xf32>
    %get3A_29 = arith.constant 0 : index
    %get3A_30 = arith.constant 0 : index
    %get3A_31 = arith.constant 0 : index
    %get3A_32 = vector.load %arg2[%get3A_29, %get3A_30, %get3A_31] : memref<4x32x20000xf32, #tpu.memory_space<vmem>>, vector<1x32x20000xf32>
    %get3A_33 = vector.shape_cast %get3A_32 : vector<1x32x20000xf32> to vector<32x20000xf32>
    %get3A_34 = arith.constant 0 : index
    %get3A_35 = arith.constant 0 : index
    %get3A_36 = arith.constant 0 : index
    %get3A_37 = vector.load %arg3[%get3A_34, %get3A_35, %get3A_36] : memref<4x32x20000xf32, #tpu.memory_space<vmem>>, vector<1x32x20000xf32>
    %get3A_38 = vector.shape_cast %get3A_37 : vector<1x32x20000xf32> to vector<32x20000xf32>
    %sub3A_39 = arith.subf %get3A_33, %get3A_38 : vector<32x20000xf32>
    %abs3A_40 = math.absf %sub3A_39 : vector<32x20000xf32>
    %lt3A = arith.constant 1.000000e+00 : f32
    %lt3A_41 = vector.broadcast %lt3A : f32 to vector<32x20000xf32>
    %lt3A_42 = arith.cmpf olt, %abs3A_40, %lt3A_41 : vector<32x20000xf32>
    %mul3A_43 = arith.constant 5.000000e-01 : f32
    %mul3A_44 = vector.broadcast %mul3A_43 : f32 to vector<32x20000xf32>
    %mul3A_45 = arith.mulf %mul3A_44, %sub3A_39 : vector<32x20000xf32>
    %mul3A_46 = arith.mulf %mul3A_45, %sub3A_39 : vector<32x20000xf32>
    %sub3A_47 = arith.constant 5.000000e-01 : f32
    %sub3A_48 = vector.broadcast %sub3A_47 : f32 to vector<32x20000xf32>
    %sub3A_49 = arith.subf %abs3A_40, %sub3A_48 : vector<32x20000xf32>
    %select_n3A_50 = arith.select %lt3A_42, %mul3A_46, %sub3A_49 : vector<32x20000xi1>, vector<32x20000xf32>
    %mul3A_51 = arith.mulf %convert_element_type3A_4, %select_n3A_50 : vector<32x20000xf32>
    %reduce_sum3A_52 = vector.shape_cast %mul3A_51 : vector<32x20000xf32> to vector<1x32x20000xf32>
    %reduce_sum3A_53 = arith.constant dense<0.000000e+00> : vector<1xf32>
    %reduce_sum3A_54 = vector.multi_reduction <add>, %reduce_sum3A_52, %reduce_sum3A_53 [1, 2] : vector<1x32x20000xf32> to vector<1xf32>
    %reduce_sum3A_55 = vector.shape_cast %reduce_sum3A_54 : vector<1xf32> to vector<1x1x1xf32>
    %reduce_sum3A_56 = vector.extract %reduce_sum3A_55[0, 0, 0] : f32 from vector<1x1x1xf32>
    %add3A_57 = arith.constant 0.000000e+00 : f32
    %add3A_58 = arith.addf %add3A_57, %reduce_sum3A_56 : f32
    %get3A_59 = arith.constant 1 : index
    %get3A_60 = arith.constant 0 : index
    %get3A_61 = arith.constant 0 : index
    %get3A_62 = vector.load %arg2[%get3A_59, %get3A_60, %get3A_61] : memref<4x32x20000xf32, #tpu.memory_space<vmem>>, vector<1x32x20000xf32>
    %get3A_63 = vector.shape_cast %get3A_62 : vector<1x32x20000xf32> to vector<32x20000xf32>
    %get3A_64 = arith.constant 1 : index
    %get3A_65 = arith.constant 0 : index
    %get3A_66 = arith.constant 0 : index
    %get3A_67 = vector.load %arg3[%get3A_64, %get3A_65, %get3A_66] : memref<4x32x20000xf32, #tpu.memory_space<vmem>>, vector<1x32x20000xf32>
    %get3A_68 = vector.shape_cast %get3A_67 : vector<1x32x20000xf32> to vector<32x20000xf32>
    %sub3A_69 = arith.subf %get3A_63, %get3A_68 : vector<32x20000xf32>
    %abs3A_70 = math.absf %sub3A_69 : vector<32x20000xf32>
    %lt3A_71 = arith.constant 1.000000e+00 : f32
    %lt3A_72 = vector.broadcast %lt3A_71 : f32 to vector<32x20000xf32>
    %lt3A_73 = arith.cmpf olt, %abs3A_70, %lt3A_72 : vector<32x20000xf32>
    %mul3A_74 = arith.constant 5.000000e-01 : f32
    %mul3A_75 = vector.broadcast %mul3A_74 : f32 to vector<32x20000xf32>
    %mul3A_76 = arith.mulf %mul3A_75, %sub3A_69 : vector<32x20000xf32>
    %mul3A_77 = arith.mulf %mul3A_76, %sub3A_69 : vector<32x20000xf32>
    %sub3A_78 = arith.constant 5.000000e-01 : f32
    %sub3A_79 = vector.broadcast %sub3A_78 : f32 to vector<32x20000xf32>
    %sub3A_80 = arith.subf %abs3A_70, %sub3A_79 : vector<32x20000xf32>
    %select_n3A_81 = arith.select %lt3A_73, %mul3A_77, %sub3A_80 : vector<32x20000xi1>, vector<32x20000xf32>
    %mul3A_82 = arith.mulf %convert_element_type3A_4, %select_n3A_81 : vector<32x20000xf32>
    %reduce_sum3A_83 = vector.shape_cast %mul3A_82 : vector<32x20000xf32> to vector<1x32x20000xf32>
    %reduce_sum3A_84 = arith.constant dense<0.000000e+00> : vector<1xf32>
    %reduce_sum3A_85 = vector.multi_reduction <add>, %reduce_sum3A_83, %reduce_sum3A_84 [1, 2] : vector<1x32x20000xf32> to vector<1xf32>
    %reduce_sum3A_86 = vector.shape_cast %reduce_sum3A_85 : vector<1xf32> to vector<1x1x1xf32>
    %reduce_sum3A_87 = vector.extract %reduce_sum3A_86[0, 0, 0] : f32 from vector<1x1x1xf32>
    %add3A_88 = arith.addf %add3A_58, %reduce_sum3A_87 : f32
    %get3A_89 = arith.constant 2 : index
    %get3A_90 = arith.constant 0 : index
    %get3A_91 = arith.constant 0 : index
    %get3A_92 = vector.load %arg2[%get3A_89, %get3A_90, %get3A_91] : memref<4x32x20000xf32, #tpu.memory_space<vmem>>, vector<1x32x20000xf32>
    %get3A_93 = vector.shape_cast %get3A_92 : vector<1x32x20000xf32> to vector<32x20000xf32>
    %get3A_94 = arith.constant 2 : index
    %get3A_95 = arith.constant 0 : index
    %get3A_96 = arith.constant 0 : index
    %get3A_97 = vector.load %arg3[%get3A_94, %get3A_95, %get3A_96] : memref<4x32x20000xf32, #tpu.memory_space<vmem>>, vector<1x32x20000xf32>
    %get3A_98 = vector.shape_cast %get3A_97 : vector<1x32x20000xf32> to vector<32x20000xf32>
    %sub3A_99 = arith.subf %get3A_93, %get3A_98 : vector<32x20000xf32>
    %abs3A_100 = math.absf %sub3A_99 : vector<32x20000xf32>
    %lt3A_101 = arith.constant 1.000000e+00 : f32
    %lt3A_102 = vector.broadcast %lt3A_101 : f32 to vector<32x20000xf32>
    %lt3A_103 = arith.cmpf olt, %abs3A_100, %lt3A_102 : vector<32x20000xf32>
    %mul3A_104 = arith.constant 5.000000e-01 : f32
    %mul3A_105 = vector.broadcast %mul3A_104 : f32 to vector<32x20000xf32>
    %mul3A_106 = arith.mulf %mul3A_105, %sub3A_99 : vector<32x20000xf32>
    %mul3A_107 = arith.mulf %mul3A_106, %sub3A_99 : vector<32x20000xf32>
    %sub3A_108 = arith.constant 5.000000e-01 : f32
    %sub3A_109 = vector.broadcast %sub3A_108 : f32 to vector<32x20000xf32>
    %sub3A_110 = arith.subf %abs3A_100, %sub3A_109 : vector<32x20000xf32>
    %select_n3A_111 = arith.select %lt3A_103, %mul3A_107, %sub3A_110 : vector<32x20000xi1>, vector<32x20000xf32>
    %mul3A_112 = arith.mulf %convert_element_type3A_4, %select_n3A_111 : vector<32x20000xf32>
    %reduce_sum3A_113 = vector.shape_cast %mul3A_112 : vector<32x20000xf32> to vector<1x32x20000xf32>
    %reduce_sum3A_114 = arith.constant dense<0.000000e+00> : vector<1xf32>
    %reduce_sum3A_115 = vector.multi_reduction <add>, %reduce_sum3A_113, %reduce_sum3A_114 [1, 2] : vector<1x32x20000xf32> to vector<1xf32>
    %reduce_sum3A_116 = vector.shape_cast %reduce_sum3A_115 : vector<1xf32> to vector<1x1x1xf32>
    %reduce_sum3A_117 = vector.extract %reduce_sum3A_116[0, 0, 0] : f32 from vector<1x1x1xf32>
    %add3A_118 = arith.addf %add3A_88, %reduce_sum3A_117 : f32
    %get3A_119 = arith.constant 3 : index
    %get3A_120 = arith.constant 0 : index
    %get3A_121 = arith.constant 0 : index
    %get3A_122 = vector.load %arg2[%get3A_119, %get3A_120, %get3A_121] : memref<4x32x20000xf32, #tpu.memory_space<vmem>>, vector<1x32x20000xf32>
    %get3A_123 = vector.shape_cast %get3A_122 : vector<1x32x20000xf32> to vector<32x20000xf32>
    %get3A_124 = arith.constant 3 : index
    %get3A_125 = arith.constant 0 : index
    %get3A_126 = arith.constant 0 : index
    %get3A_127 = vector.load %arg3[%get3A_124, %get3A_125, %get3A_126] : memref<4x32x20000xf32, #tpu.memory_space<vmem>>, vector<1x32x20000xf32>
    %get3A_128 = vector.shape_cast %get3A_127 : vector<1x32x20000xf32> to vector<32x20000xf32>
    %sub3A_129 = arith.subf %get3A_123, %get3A_128 : vector<32x20000xf32>
    %abs3A_130 = math.absf %sub3A_129 : vector<32x20000xf32>
    %lt3A_131 = arith.constant 1.000000e+00 : f32
    %lt3A_132 = vector.broadcast %lt3A_131 : f32 to vector<32x20000xf32>
    %lt3A_133 = arith.cmpf olt, %abs3A_130, %lt3A_132 : vector<32x20000xf32>
    %mul3A_134 = arith.constant 5.000000e-01 : f32
    %mul3A_135 = vector.broadcast %mul3A_134 : f32 to vector<32x20000xf32>
    %mul3A_136 = arith.mulf %mul3A_135, %sub3A_129 : vector<32x20000xf32>
    %mul3A_137 = arith.mulf %mul3A_136, %sub3A_129 : vector<32x20000xf32>
    %sub3A_138 = arith.constant 5.000000e-01 : f32
    %sub3A_139 = vector.broadcast %sub3A_138 : f32 to vector<32x20000xf32>
    %sub3A_140 = arith.subf %abs3A_130, %sub3A_139 : vector<32x20000xf32>
    %select_n3A_141 = arith.select %lt3A_133, %mul3A_137, %sub3A_140 : vector<32x20000xi1>, vector<32x20000xf32>
    %mul3A_142 = arith.mulf %convert_element_type3A_4, %select_n3A_141 : vector<32x20000xf32>
    %reduce_sum3A_143 = vector.shape_cast %mul3A_142 : vector<32x20000xf32> to vector<1x32x20000xf32>
    %reduce_sum3A_144 = arith.constant dense<0.000000e+00> : vector<1xf32>
    %reduce_sum3A_145 = vector.multi_reduction <add>, %reduce_sum3A_143, %reduce_sum3A_144 [1, 2] : vector<1x32x20000xf32> to vector<1xf32>
    %reduce_sum3A_146 = vector.shape_cast %reduce_sum3A_145 : vector<1xf32> to vector<1x1x1xf32>
    %reduce_sum3A_147 = vector.extract %reduce_sum3A_146[0, 0, 0] : f32 from vector<1x1x1xf32>
    %add3A_148 = arith.addf %add3A_118, %reduce_sum3A_147 : f32
    %broadcast_in_dim3A_149 = vector.broadcast %reduce_sum3A_17 : f32 to vector<1x128xf32>
    %broadcast_in_dim3A_150 = vector.broadcast %reduce_sum3A_23 : f32 to vector<1x128xf32>
    %broadcast_in_dim3A_151 = vector.broadcast %reduce_sum3A_28 : f32 to vector<1x128xf32>
    %broadcast_in_dim3A_152 = vector.broadcast %add3A_148 : f32 to vector<1x128xf32>
    %concatenate3A = tpu.concatenate %broadcast_in_dim3A_149, %broadcast_in_dim3A_150, %broadcast_in_dim3A_151, %broadcast_in_dim3A_152 in 0 : vector<1x128xf32>, vector<1x128xf32>, vector<1x128xf32>, vector<1x128xf32> -> vector<4x128xf32>
    %swap3A_153 = arith.constant 0 : index
    %swap3A_154 = arith.constant 0 : index
    %swap3A_155 = vector.load %arg5[%swap3A_153, %swap3A_154] : memref<4x128xf32, #tpu.memory_space<vmem>>, vector<4x128xf32>
    tpu.vector_store %arg5[%swap3A_153, %swap3A_154], %concatenate3A {strides = array<i32>} : memref<4x128xf32, #tpu.memory_space<vmem>>, vector<4x128xf32>,
    return
  }
}

module attributes {stable_mosaic.version = 14 : i64} {
  func.func @_combine_body(%arg0: memref<4x128xf32, #tpu.memory_space<vmem>>, %arg1: memref<32x16xf32, #tpu.memory_space<vmem>>, %arg2: memref<1x1xf32, #tpu.memory_space<vmem>>) attributes {dimension_semantics = [], scalar_prefetch = 0 : i64, scratch_operands = 0 : i64, tpu.core_type = #tpu.core_type<tc>} {
    %get3A = arith.constant 0 : index
    %get3A_0 = arith.constant 0 : index
    %get3A_1 = vector.load %arg0[%get3A, %get3A_0] : memref<4x128xf32, #tpu.memory_space<vmem>>, vector<4x128xf32>
    %slice3A = vector.extract_strided_slice %get3A_1 {offsets = [0, 0], sizes = [1, 128], strides = [1, 1]} : vector<4x128xf32> to vector<1x128xf32>
    %reduce_max3A = vector.shape_cast %slice3A : vector<1x128xf32> to vector<1x1x128xf32>
    %reduce_max3A_2 = arith.constant dense<0xFF800000> : vector<1xf32>
    %reduce_max3A_3 = vector.multi_reduction <maximumf>, %reduce_max3A, %reduce_max3A_2 [1, 2] : vector<1x1x128xf32> to vector<1xf32>
    %reduce_max3A_4 = vector.shape_cast %reduce_max3A_3 : vector<1xf32> to vector<1x1x1xf32>
    %reduce_max3A_5 = vector.extract %reduce_max3A_4[0, 0, 0] : f32 from vector<1x1x1xf32>
    %slice3A_6 = vector.extract_strided_slice %get3A_1 {offsets = [1, 0], sizes = [1, 128], strides = [1, 1]} : vector<4x128xf32> to vector<1x128xf32>
    %reduce_max3A_7 = vector.shape_cast %slice3A_6 : vector<1x128xf32> to vector<1x1x128xf32>
    %reduce_max3A_8 = arith.constant dense<0xFF800000> : vector<1xf32>
    %reduce_max3A_9 = vector.multi_reduction <maximumf>, %reduce_max3A_7, %reduce_max3A_8 [1, 2] : vector<1x1x128xf32> to vector<1xf32>
    %reduce_max3A_10 = vector.shape_cast %reduce_max3A_9 : vector<1xf32> to vector<1x1x1xf32>
    %reduce_max3A_11 = vector.extract %reduce_max3A_10[0, 0, 0] : f32 from vector<1x1x1xf32>
    %slice3A_12 = vector.extract_strided_slice %get3A_1 {offsets = [2, 0], sizes = [1, 128], strides = [1, 1]} : vector<4x128xf32> to vector<1x128xf32>
    %reduce_max3A_13 = vector.shape_cast %slice3A_12 : vector<1x128xf32> to vector<1x1x128xf32>
    %reduce_max3A_14 = arith.constant dense<0xFF800000> : vector<1xf32>
    %reduce_max3A_15 = vector.multi_reduction <maximumf>, %reduce_max3A_13, %reduce_max3A_14 [1, 2] : vector<1x1x128xf32> to vector<1xf32>
    %reduce_max3A_16 = vector.shape_cast %reduce_max3A_15 : vector<1xf32> to vector<1x1x1xf32>
    %reduce_max3A_17 = vector.extract %reduce_max3A_16[0, 0, 0] : f32 from vector<1x1x1xf32>
    %slice3A_18 = vector.extract_strided_slice %get3A_1 {offsets = [3, 0], sizes = [1, 128], strides = [1, 1]} : vector<4x128xf32> to vector<1x128xf32>
    %reduce_max3A_19 = vector.shape_cast %slice3A_18 : vector<1x128xf32> to vector<1x1x128xf32>
    %reduce_max3A_20 = arith.constant dense<0xFF800000> : vector<1xf32>
    %reduce_max3A_21 = vector.multi_reduction <maximumf>, %reduce_max3A_19, %reduce_max3A_20 [1, 2] : vector<1x1x128xf32> to vector<1xf32>
    %reduce_max3A_22 = vector.shape_cast %reduce_max3A_21 : vector<1xf32> to vector<1x1x1xf32>
    %reduce_max3A_23 = vector.extract %reduce_max3A_22[0, 0, 0] : f32 from vector<1x1x1xf32>
    %get3A_24 = arith.constant 0 : index
    %get3A_25 = arith.constant 0 : index
    %get3A_26 = vector.load %arg1[%get3A_24, %get3A_25] : memref<32x16xf32, #tpu.memory_space<vmem>>, vector<32x16xf32>
    %reduce_sum3A = vector.shape_cast %get3A_26 : vector<32x16xf32> to vector<1x32x16xf32>
    %reduce_sum3A_27 = arith.constant dense<0.000000e+00> : vector<1xf32>
    %reduce_sum3A_28 = vector.multi_reduction <add>, %reduce_sum3A, %reduce_sum3A_27 [1, 2] : vector<1x32x16xf32> to vector<1xf32>
    %reduce_sum3A_29 = vector.shape_cast %reduce_sum3A_28 : vector<1xf32> to vector<1x1x1xf32>
    %reduce_sum3A_30 = vector.extract %reduce_sum3A_29[0, 0, 0] : f32 from vector<1x1x1xf32>
    %mul3A = arith.constant 6.250000e-02 : f32
    %mul3A_31 = arith.mulf %reduce_sum3A_30, %mul3A : f32
    %max3A = arith.constant 1.000000e+00 : f32
    %max3A_32 = arith.maximumf %reduce_max3A_5, %max3A : f32
    %add3A = arith.addf %reduce_max3A_23, %reduce_max3A_11 : f32
    %add3A_33 = arith.addf %add3A, %mul3A_31 : f32
    %div3A = arith.divf %add3A_33, %max3A_32 : f32
    %div3A_34 = arith.constant 6.400000e+05 : f32
    %div3A_35 = arith.divf %reduce_max3A_17, %div3A_34 : f32
    %eq3A = arith.constant 0.000000e+00 : f32
    %eq3A_36 = arith.cmpf oeq, %reduce_max3A_5, %eq3A : f32
    %select_n3A = arith.select %eq3A_36, %div3A_35, %div3A : f32
    %broadcast_in_dim3A = vector.broadcast %select_n3A : f32 to vector<1x1xf32>
    %swap3A = arith.constant 0 : index
    %swap3A_37 = arith.constant 0 : index
    %swap3A_38 = vector.load %arg2[%swap3A, %swap3A_37] : memref<1x1xf32, #tpu.memory_space<vmem>>, vector<1x1xf32>
    tpu.vector_store %arg2[%swap3A, %swap3A_37], %broadcast_in_dim3A {strides = array<i32>} : memref<1x1xf32, #tpu.memory_space<vmem>>, vector<1x1xf32>,
    return
  }
}

</mosaic_0001>

<sc_bundles>
// kernel: kernel.5.cloned.1.call-start
scs
__scs_entry_jumppad:
0x0: {  	(pc) =	sbr.rel $0x88, $3  }
0x1: {  	(tag) =	ssettag $0x0;
	lr =	simm.s32 $0x1  }
0x2: {  	[smem:$0x3F9D] =	sst lr;
	_ =	strace $0xD0000000  }
0x3: {  	_ = 	snop  }
0x4: {  	_ = 	snop  }
0x5: {  	_ = 	snop  }
0x6: {  	_ = 	snop  }
0x7: {  	_ = 	snop  }
__scs_overlays_trampoline_lowered:
0x8: {  	[smem:$0x3FAC] =	sst s0  }
0x9: {  	[smem:$0x3FAD] =	sst s1  }
0xa: {  	[smem:$0x3FAE] =	sst s2  }
0xb: {  	[smem:$0x3FAF] =	sst s3  }
0xc: {  	[smem:$0x3FB0] =	sst s4  }
0xd: {  	[smem:$0x3FB1] =	sst s5  }
0xe: {  	[smem:$0x3FB2] =	sst s6  }
0xf: {  	[smem:$0x3FB3] =	sst s7  }
0x10: {  	[smem:$0x3FB4] =	sst s8  }
0x11: {  	[smem:$0x3FB5] =	sst s9;
	s0 =	simm.s32 @!p0 $0x0  }
0x12: {  	s1 =	sld [smem:$0x3F9B];
	s0 =	simm.s32 @p0 $0x1  }
0x13: {  	[smem:$0x3FB6] =	sst s0;
	s0 =	simm.s32 @!p1 $0x0  }
0x14: {  	s2 =	sld [smem:$0x3F9A];
	s0 =	simm.s32 @p1 $0x1  }
0x15: {  	[smem:$0x3FB7] =	sst s0;
	s0 =	simm.s32 @!p2 $0x0  }
0x16: {  	s3 =	sld [smem:$0x3FDB];
	s0 =	simm.s32 @p2 $0x1  }
0x17: {  	s4 =	simm.s32 $0x1BF5;
	[smem:$0x3FB9] =	sst s0  }
0x18: {  	s0 =	sld [smem:$0x3F9C];
	_ =	swait.ge [sflag:s4], $0x0  }
0x19: {  	s7 =	sld [smem:$0x3F9D]  }
0x1a: {  	s8 =	sadd.s32 $0xFFFFE003, lr  }
0x1b: {  	s9 =	sadd.s32 $0xFFFFFEF7, lr;
	s5 =	simm.s32 $0xFFFFFFFF;
	p2 =	slt.u32 s8, $0xFFFFF086  }
0x1c: {  	p1 =	slt.u32 s9, $0xF7A;
	s5 =	simm.s32 @!p2 $0x0  }
0x1d: {  	s5 =	simm.s32 @p1 $0x1;
	p0 =	seq.s32 s7, s2  }
0x1e: {  	s7 =	smul.u32 @!p0 $0xF7A, s2;
	p2 =	seq.s32 @!p0 s5, $0x0  }
0x1f: {  	s9 =	smul.u32 $0xF7A, s1;
	s8 =	simm.s32 @!p0 $0x1BF5;
	p2 =	por !p2, p0  }
0x20: {  	[sflag:s8] =	ssyncset.s32 @!p0 $0xFFFFF086;
	s6 =	sadd.s32 @!p0 s3, s7;
	s7 =	simm.s32 @!p0 $0x108  }
0x21: {  	s3 =	sadd.s32 s3, s9;
	s6 =	sadd.s32 @!p0 $0x88, s6;
	s7 =	simm.s32 @p2 $0x1082  }
0x22: {  	[simem:s7], [sflag:s8] =	dma.local @!p0 [hbm:s6], $0xF7A  }
0x23: {  	s9 =	sor.u32 $0xD0000000, s2;
	s6 =	simm.s32 $0x108;
	_ =	swait.ge @!p0 [sflag:s8], $0x0  }
0x24: {  	s3 =	sadd.s32 $0x88, s3;
	s6 =	simm.s32 @!p1 $0x1082;
	[sflag:s4] =	ssyncset.s32 $0xFFFFF086  }
0x25: {  	[simem:s6], [sflag:s4] =	dma.local [hbm:s3], $0xF7A  }
0x26: {  	[smem:$0x3F9D] =	sst s1;
	(tag) =	ssettag s2;
	_ =	strace s9  }
0x27: {  	s1 =	sld [smem:$0x3FAD]  }
0x28: {  	s2 =	sld [smem:$0x3FAE]  }
0x29: {  	s4 =	sld [smem:$0x3FB0]  }
0x2a: {  	p0 =	seq.s32 s5, $0x0;
	s5 =	sld [smem:$0x3FB1]  }
0x2b: {  	s6 =	sld [smem:$0x3FB2]  }
0x2c: {  	s7 =	sld [smem:$0x3FB3]  }
0x2d: {  	s3 =	simm.s32 $0x108;
	s8 =	sld [smem:$0x3FB4]  }
0x2e: {  	s3 =	simm.s32 @!p0 $0x1082;
	s9 =	sld [smem:$0x3FB5]  }
0x2f: {  	lr =	sadd.s32 s0, s3;
	s0 =	sld [smem:$0x3FAC]  }
0x30: {  	s3 =	sld [smem:$0x3FAF]  }
0x31: {  	[smem:$0x3FB8] =	sst s10  }
0x32: {  	s10 =	sld [smem:$0x3FB6];
	_ =	sdelay $0x3  }
0x33: {  	p0 =	seq.s32 s10, $0x1;
	s10 =	sld [smem:$0x3FB8];
	_ =	sdelay $0x3  }
0x34: {  	[smem:$0x3FB8] =	sst s10  }
0x35: {  	s10 =	sld [smem:$0x3FB7];
	_ =	sdelay $0x3  }
0x36: {  	p1 =	seq.s32 s10, $0x1;
	s10 =	sld [smem:$0x3FB8];
	_ =	sdelay $0x3  }
0x37: {  	[smem:$0x3FB8] =	sst s10  }
0x38: {  	s10 =	sld [smem:$0x3FB9]  }
0x39: {  	_ = 	snop;
	(pc) =	sbr.ind lr, $3  }
0x3a: {  	_ = 	snop  }
0x3b: {  	_ = 	snop  }
0x3c: {  	p2 =	seq.s32 s10, $0x1;
	s10 =	sld [smem:$0x3FB8]  }
0x3d: {  	_ =	shalt  }
0x3e: {  	_ =	shalt  }
0x3f: {  	_ =	shalt  }
0x40: {  	_ =	shalt  }
0x41: {  	_ =	shalt  }
0x42: {  	_ =	shalt  }
0x43: {  	_ =	shalt  }
0x44: {  	_ =	shalt  }
0x45: {  	_ =	shalt  }
0x46: {  	_ =	shalt  }
0x47: {  	_ =	shalt  }
0x48: {  	_ =	shalt  }
0x49: {  	_ =	shalt  }
0x4a: {  	_ =	shalt  }
0x4b: {  	_ =	shalt  }
0x4c: {  	_ =	shalt  }
0x4d: {  	_ =	shalt  }
0x4e: {  	_ =	shalt  }
0x4f: {  	_ =	shalt  }
0x50: {  	_ =	shalt  }
0x51: {  	_ =	shalt  }
0x52: {  	_ =	shalt  }
0x53: {  	_ =	shalt  }
0x54: {  	_ =	shalt  }
0x55: {  	_ =	shalt  }
0x56: {  	_ =	shalt  }
0x57: {  	_ =	shalt  }
0x58: {  	_ =	shalt  }
0x59: {  	_ =	shalt  }
0x5a: {  	_ =	shalt  }
0x5b: {  	_ =	shalt  }
0x5c: {  	_ =	shalt  }
0x5d: {  	_ =	shalt  }
0x5e: {  	_ =	shalt  }
0x5f: {  	_ =	shalt  }
0x60: {  	_ =	shalt  }
0x61: {  	_ =	shalt  }
0x62: {  	_ =	shalt  }
0x63: {  	_ =	shalt  }
0x64: {  	_ =	shalt  }
0x65: {  	_ =	shalt  }
0x66: {  	_ =	shalt  }
0x67: {  	_ =	shalt  }
0x68: {  	_ =	shalt  }
0x69: {  	_ =	shalt  }
0x6a: {  	_ =	shalt  }
0x6b: {  	_ =	shalt  }
0x6c: {  	_ =	shalt  }
0x6d: {  	_ =	shalt  }
0x6e: {  	_ =	shalt  }
0x6f: {  	_ =	shalt  }
0x70: {  	_ =	shalt  }
0x71: {  	_ =	shalt  }
0x72: {  	_ =	shalt  }
0x73: {  	_ =	shalt  }
0x74: {  	_ =	shalt  }
0x75: {  	_ =	shalt  }
0x76: {  	_ =	shalt  }
0x77: {  	_ =	shalt  }
0x78: {  	_ =	shalt  }
0x79: {  	_ =	shalt  }
0x7a: {  	_ =	shalt  }
0x7b: {  	_ =	shalt  }
0x7c: {  	_ =	shalt  }
0x7d: {  	_ =	shalt  }
0x7e: {  	_ =	shalt  }
0x7f: {  	_ =	shalt  }
0x80: {  	_ =	shalt  }
0x81: {  	_ =	shalt  }
0x82: {  	_ =	shalt  }
0x83: {  	_ =	shalt  }
0x84: {  	_ =	shalt  }
0x85: {  	_ =	shalt  }
0x86: {  	_ =	shalt  }
0x87: {  	_ =	shalt  }
.Lfunc_end0:
.L_simem_size_0:
called_computation_lowered:
.L_overlay_start_0:
0x88: {  	s2 =	sld [smem:$0x3FD9]  }
0x89: {  	s3 =	sld [smem:$0x3FFE];
	_ =	sdelay $0x1  }
0x8a: {  	s1 =	srdreg.scid  }
0x8b: {  	s0 =	sand.u32 $0x1, s1  }
0x8c: {  	s16 =	sshll.u32 s0, $0xA;
	s2 =	sadd.s32 s3, s2  }
0x8d: {  	s2 =	sadd.s32 s2, s16  }
0x8e: {  	[smem:$0x3FC4] =	sst s2  }
0x8f: {  	_ = 	snop  }
0x90: {  	(tm) =	ssettm $0x1  }
0x91: {  	s17 =	sld [smem:$0x3FFB];
	_ =	sdelay $0x3  }
0x92: {  	_ =	strace s17  }
0x93: {  	s2 =	sld [smem:$0x3FFC];
	_ =	sdelay $0x3  }
0x94: {  	_ =	strace s2  }
0x95: {  	s2 =	sld [smem:$0x3FFD];
	_ =	sdelay $0x3  }
0x96: {  	_ =	strace s2  }
0x97: {  	_ =	strace $0x8FFFFFFF  }
0x98: {  	s18 =	sld [smem:$0x3FDB];
	_ =	sdelay $0x1  }
0x99: {  	s19 =	simm.s32 $_scs_section_size  }
0x9a: {  	s4 =	simm.s32 $_size__tile_overlayer_lowered;
	s5 =	simm.s32 $_tile_overlayer_lowered  }
0x9b: {  	s22 =	simm.s32 $0x1BFF;
	s21 =	sshll.u32 s5, $0x1;
	s2 =	sadd.s32 s19, s18  }
0x9c: {  	s6 =	simm.s32 $0x0;
	s20 =	sshll.u32 s4, $0x1;
	s4 =	sadd.s32 s21, s2  }
0x9d: {  	[timem:s6], [sflag:s22] =	dma.local [hbm:s4], s20  }
0x9e: {  	_ =	swait.ge [sflag:s22], s20  }
0x9f: {  	s3 =	ssub.s32 $0x0, s20;
	[sflag:s22] =	ssyncset.done $0x0  }
0xa0: {  	[sflag:s22] =	ssyncadd.s32 s3;
	_ =	sdelay $0x1  }
0xa1: {  	s23 =	simm.s32 $0x1B8B  }
0xa2: {  	_ =	swait.ge [sflag:s23], $0x1  }
0xa3: {  	[sflag:s23] =	ssyncset.done $0x0  }
0xa4: {  	s25 =	simm.s32 $0x1B8E;
	s24 =	sld [smem:$0x3FFE];
	[sflag:s23] =	ssyncadd.s32 $0xFFFFFFFF  }
0xa5: {  	s26 =	simm.s32 $execute0_lowered;
	[smem:$0x3FD2] =	sst s25  }
0xa6: {  	s4 =	sshll.u32 s26, $0x1;
	_ =	strace $0x80000046;
	[dreg:$0x1] =	wrdreg $0xFFFFFFFF  }
0xa7: {  	s28 =	simm.s32 $_size_execute0_lowered;
	s2 =	sadd.s32 s2, s4;
	[dreg:$0x0] =	wrdreg $0x0  }
0xa8: {  	s4 =	sshll.u32 s28, $0x1;
	[dreg:$0x2] =	wrdreg s2  }
0xa9: {  	[dreg:$0x3] =	wrdreg s4  }
0xaa: {  	[dreg:$0x4] =	wrdreg $0xC0  }
0xab: {  	_ =	task [dreg:s6], $0x5FFFF  }
0xac: {  	[dreg:$0x1] =	wrdreg $0xFFFFFFFF  }
0xad: {  	[dreg:$0x0] =	wrdreg $0x60  }
0xae: {  	[dreg:$0x2] =	wrdreg s24  }
0xaf: {  	[dreg:$0x3] =	wrdreg $0x9  }
0xb0: {  	_ =	task.clear_ibuf [dreg:s6], $0x4FFFF;
	_ =	strace $0x90000046  }
0xb1: {  	s29 =	simm.s32 $0x9;
	_ =	strace $0x80000048  }
0xb2: {  	_ =	swait.ge [sflag:s29], $0x1  }
0xb3: {  	[sflag:s29] =	ssyncadd.s32 $0xFFFFFFFF  }
0xb4: {  	_ =	strace $0x90000048  }
0xb5: {  	_ =	sfence  }
0xb6: {  	s30 =	sld [smem:$0x0];
	_ =	sdelay $0x2  }
0xb7: {  	s31 =	sshll.u32 s1, $0xD;
	s1 =	sshrl.u32 s1, $0x2  }
0xb8: {  	s3 =	sand.u32 $0x4000, s31;
	s1 =	sadd.s32 s1, s30  }
0xb9: {  	s0 =	sor.u32 s3, s0;
	s1 =	sshll.u32 s1, $0x11  }
0xba: {  	s0 =	sor.u32 s1, s0  }
0xbb: {  	s0 =	sadd.s32 $0x8F2B, s0  }
0xbc: {  	[sflag:s0] =	ssyncadd.remote.s32 $0x1  }
0xbd: {  	_ =	sfence.sel $0xFFFF  }
0xbe: {  	[dreg:$0x0] =	wrdreg $0xFFFFFFFF;
	(pc) =	sbr.abs _section_cstart, $3  }
0xbf: {  	[dreg:$0x1] =	wrdreg $0xFFFFFFFF  }
0xc0: {  	_ =	task.clear_ibuf [dreg:s6], $0x2FFFF;
	_ =	strace $0x9FFFFFFF  }
0xc1: {  	(tm) =	ssettm $0x7FFFFFFF  }
tec
execute0_lowered:
.L_overlay_start_1:
0x0: {  	(tag) =	ssettag $0x1  }
0x1: {  	s1 =	srdreg.scid  }
0x2: {  	v0 =	vimm.s32 $0xFEDCBA98;
	s0 =	stileid.u32;
	v1 =	vimm.s32 $0x76543210;
	s4 =	rddreg [dreg:$0x0];
	s9 =	simm.s32 $0x5080  }
0x3: {  	v2 =	vimm.s32 $0xBA98FEDC;
	v3 =	vimm.s32 $0x32107654;
	s10 =	simm.s32 $0x80;
	s11 =	simm.s32 $0x400;
	s12 =	simm.s32 $0x40000000  }
0x4: {  	v4 =	vimm.s32 $0xDCFE98BA;
	v5 =	vimm.s32 $0x54761032;
	v6 =	vimm.s32 $0xEFCDAB89;
	s13 =	simm.s32 $0x0;
	s3 =	sand.u32 $0x1, s1;
	s1 =	simm.s32 $0x0  }
0x5: {  	v7 =	vimm.s32 $0x67452301;
	v0 =	vunpack.c.l.s4.s8 v0;
	s29 =	sshll.u32 s0, $0x1;
	s2 =	sshrl.u32 s0, $0x2;
	v1 =	vunpack.c.l.s4.s8 v1;
	[smem:$0x7FF] =	sst s1  }
0x6: {  	v2 =	vunpack.c.l.s4.s8 v2;
	v3 =	vunpack.c.l.s4.s8 v3;
	v4 =	vunpack.c.l.s4.s8 v4;
	s5 =	sor.u32 s3, s29;
	s6 =	smul.u32 $0x27400, s2;
	s2 =	rddreg [dreg:$0x1]  }
0x7: {  	v5 =	vunpack.c.l.s4.s8 v5;
	v6 =	vunpack.c.l.s4.s8 v6;
	v7 =	vunpack.c.l.s4.s8 v7;
	s31 =	ssub.s32 $0x2, s3;
	s3 =	sadd.s32 $0x14E00, s4;
	s30 =	sshll.u32 s5, $0x7  }
.Ltmp0:
0x8: {  	v0 =	vunpack.c.0.s8.s32 v0;
	v1 =	vunpack.c.0.s8.s32 v1;
	_ =	strace $0x80000047;
	v2 =	vunpack.c.0.s8.s32 v2;
	s7 =	sand.u32 $0x380, s30;
	(pc) =	sbr.rel .LBB2_1-.Ltmp0, $4  }
0x9: {  	s5 =	sshll.u32 s5, $0x4;
	s8 =	sshrl.u32 s31, $0x1;
	v3 =	vunpack.c.0.s8.s32 v3;
	v4 =	vunpack.c.0.s8.s32 v4;
	v5 =	vunpack.c.0.s8.s32 v5;
	s6 =	sor.u32 s6, s7  }
0xa: {  	v6 =	vunpack.c.0.s8.s32 v6;
	v7 =	vunpack.c.0.s8.s32 v7;
	s5 =	sadd.s32 s5, s4;
	v0 =	vand.u32 $0xF, v0;
	s7 =	ssub.s32 s31, s8;
	s6 =	sshrl.u32 s6, $0x3  }
0xb: {  	s5 =	sadd.s32 $0x15000, s5;
	s8 =	simm.s32 $0x1;
	v0 =	vcombine.low v0, v1;
	v1 =	vcombine.low v3, v2;
	v2 =	vimm.f32 $0.0e+00;
	s6 =	sadd.s32 s6, s4  }
0xc: {  	v3 =	vcombine.low v5, v4;
	v4 =	vimm.s32 $0x0;
	v5 =	vcombine.low v7, v6;
	s4 =	sadd.s32 $0x1400, s6;
	s6 =	smax.u32 s7, $0x1;
	s7 =	simm.s32 $0x4E80  }
.LBB2_7:
0xd: {  	s13 =	sadd.s32 $0x1, s13  }
0xe: {  	p0 =	sne.s32 s13, s6  }
.Ltmp1:
0xf: {  	_ = 	snop;
	(pc) =	sbr.rel @!p0 .LBB2_8-.Ltmp1, $4  }
0x10: {  	[hbm4b:s5+s1] =	stream.linear.scatter [tilespmem:s9], [sflag:$0x1], $0x80, $0x38;
	[tilespmem:$0x5100] =	vst v63  }
0x11: {  	_ =	swait.ge [sflag:s8], $0x80  }
0x12: {  	[sflag:s8] =	ssyncset.done $0x0  }
0x13: {  	[sflag:s8] =	ssyncadd.s32 $0xFFFFFF80  }
.LBB2_1:
0x14: {  	[tilespmem:s7], [sflag:$0x1] =	stream.linear.gather [hbm4b:s3+s1], $0x200, $0x38;
	[tilespmem:$0x5100] =	vst v63  }
0x15: {  	_ =	swait.ge [sflag:s8], $0x200  }
0x16: {  	[sflag:s8] =	ssyncset.done $0x0  }
0x17: {  	[sflag:s8] =	ssyncadd.s32 $0xFFFFFE00  }
0x18: {  	v6 =	vld [tilespmem:$0x4E80];
	_ =	sdelay $0x4  }
0x19: {  	(v2sf) =	vpush v6, $0x0;
	_ =	sdelay $0xe  }
0x1a: {  	s14 =	spop (v2sf)  }
0x1b: {  	s14 =	scvt.f32.s32 s14;
	_ =	sdelay $0x1  }
0x1c: {  	s15 =	smul.u32 $0x3, s14  }
0x1d: {  	s14 =	ssub.s32 $0x4E20, s14  }
0x1e: {  	p0 =	slt.s32 s15, s14  }
0x1f: {  	s14 =	smov.u32 @p0 s15  }
0x20: {  	p0 =	slt.s32 s14, $0x1  }
.Ltmp2:
0x21: {  	_ = 	snop;
	(pc) =	sbr.rel @p0 .LBB2_7-.Ltmp2, $2  }
0x22: {  	_ =	sdelay $0x2  }
0x23: {  	[tilespmem:$0x5080] =	vst v2  }
0x24: {  	s15 =	simm.s32 $0x0  }
0x25: {  	[tilespmem:s15], [sflag:$0x1] =	stream.strided.gather [hbm4b:s4+s10], $0x4E80, s11, s10, $0x38;
	[tilespmem:$0x5100] =	vst v63  }
0x26: {  	p0 =	sgt.s32 s14, $0x0;
	_ =	swait.ge [sflag:s8], $0x4E80  }
0x27: {  	s16 =	simm.s32 $0x0;
	s14 =	simm.s32 @!p0 $0x0;
	[sflag:s8] =	ssyncset.done $0x0  }
0x28: {  	v6 =	vimm.f32 $0.0e+00;
	s18 =	simm.s32 $0x0;
	s17 =	smov.u32 s14;
	[sflag:s8] =	ssyncadd.s32 $0xFFFFB180  }
.LBB2_3:
0x29: {  	s19 =	ssub.s32 $0x1E, s18  }
0x2a: {  	s20 =	simm.s32 $0x0;
	v9 =	vmov s19;
	s19 =	sshrl.u32 s16, s19  }
0x2b: {  	v10 =	vimm.s32 $0x0;
	v7 =	vimm.f32 $0.0e+00;
	v8 =	vld [tilespmem:s20+$0x0];
	v11 =	vmov s19;
	s19 =	simm.s32 $0x40  }
.LBB2_4:
0x2c: {  	_ =	sdelay $0x1  }
0x2d: {  	p0 =	sne.s32 s19, $0x13840  }
.Ltmp3:
0x2e: {  	_ = 	snop;
	(pc) =	sbr.rel @p0 .LBB2_4-.Ltmp3, $4  }
0x2f: {  	v12 =	vshra.s32 v8, v9  }
0x30: {  	v13 =	vmov v8;
	vm0 =	veq.s32 v12, v11  }
0x31: {  	s20 =	sshra.s32 s19, $0x2;
	v12 =	vsel vm0, $0x1, v4;
	v13 =	vnsel vm0, $0x0, v13  }
0x32: {  	s19 =	sadd.s32 $0x40, s19;
	v8 =	vld [tilespmem:s20+$0x0];
	v10 =	vadd.s32 v12, v10;
	v7 =	vadd.f32 v13, v7  }
0x33: {  	_ =	sdelay $0x3  }
0x34: {  	v9 =	vshra.s32 v8, v9  }
0x35: {  	vm0 =	veq.s32 v9, v11  }
0x36: {  	v9 =	vsel vm0, $0x1, v4  }
0x37: {  	v9 =	vadd.s32 v9, v10  }
0x38: {  	v10 =	vperm.xlane v9, v0;
	_ =	sdelay $0x1  }
0x39: {  	v9 =	vadd.s32 v9, v10  }
0x3a: {  	v10 =	vperm.xlane v9, v1;
	_ =	sdelay $0x1  }
0x3b: {  	v9 =	vadd.s32 v10, v9  }
0x3c: {  	v10 =	vperm.xlane v9, v3;
	_ =	sdelay $0x1  }
0x3d: {  	v9 =	vadd.s32 v10, v9  }
0x3e: {  	v10 =	vperm.xlane v9, v5;
	_ =	sdelay $0x1  }
0x3f: {  	v9 =	vadd.s32 v10, v9  }
0x40: {  	(v2sf) =	vpush v9, $0x0;
	_ =	sdelay $0xe  }
0x41: {  	s19 =	spop (v2sf)  }
0x42: {  	s20 =	simm.f32 $1.000000000e+00;
	p0 =	sgt.s32 s17, s19  }
0x43: {  	s21 =	sshrl.u32 s12, s18;
	s18 =	sadd.s32 $0x1, s18;
	s20 =	simm.s32 @!p0 $0x0  }
0x44: {  	v8 =	vnsel vm0, $0x0, v8;
	s21 =	simm.s32 @!p0 $0x0;
	s19 =	simm.s32 @!p0 $0x0;
	p0 =	sne.s32 s18, $0x1F  }
.Ltmp4:
0x45: {  	v7 =	vadd.f32 v8, v7;
	(pc) =	sbr.rel @p0 .LBB2_3-.Ltmp4, $3  }
0x46: {  	_ = 	snop  }
0x47: {  	v7 =	vmul.f32 s20, v7;
	_ =	sdelay $0x1  }
0x48: {  	s16 =	sor.u32 s16, s21;
	s15 =	sadd.s32 s15, s19;
	s17 =	ssub.s32 s17, s19;
	v6 =	vadd.f32 v7, v6  }
0x49: {  	_ = 	snop  }
0x4a: {  	v7 =	vperm.xlane v6, v0;
	_ =	sdelay $0x1  }
0x4b: {  	v6 =	vadd.f32 v7, v6;
	_ =	sdelay $0x1  }
0x4c: {  	v7 =	vperm.xlane v6, v1;
	_ =	sdelay $0x1  }
0x4d: {  	v6 =	vadd.f32 v7, v6;
	_ =	sdelay $0x1  }
0x4e: {  	v7 =	vperm.xlane v6, v3;
	_ =	sdelay $0x1  }
0x4f: {  	v6 =	vadd.f32 v7, v6;
	_ =	sdelay $0x1  }
0x50: {  	v7 =	vperm.xlane v6, v5;
	_ =	sdelay $0x1  }
0x51: {  	v6 =	vadd.f32 v7, v6;
	_ =	sdelay $0x1  }
0x52: {  	(v2sf) =	vpush v6, $0x0;
	_ =	sdelay $0xa  }
0x53: {  	s14 =	ssub.s32 s14, s15  }
0x54: {  	s14 =	scvt.s32.f32 s14;
	_ =	sdelay $0x1  }
0x55: {  	s14 =	smul.f32 s14, s16  }
.Ltmp5:
0x56: {  	s31 =	spop (v2sf);
	(pc) =	sbr.rel .LBB2_7-.Ltmp5, $3  }
0x57: {  	s14 =	sadd.f32 s31, s14;
	_ =	sdelay $0x1  }
0x58: {  	v6 =	vmov s14  }
0x59: {  	[tilespmem:$0x5080] =	vst v6  }
.LBB2_8:
0x5a: {  	_ =	sfence.sel $0x180000  }
0x5b: {  	[bflag:$0x0] =	sbarrier.arrive $0xFFFF  }
0x5c: {  	p0 =	sne.s32 s0, $0x0;
	_ =	strace $0x90000047  }
0x5d: {  	s0 =	sadd.s32 @!p0 $0x100000, s2;
	[bflag:$0x2] =	sbarrier.arrive $0xFFFF  }
0x5e: {  	[sflag:s0] =	ssyncadd.tile.s32 @!p0 $0x1;
	_ =	shalt  }
.Lfunc_end2:
_tile_overlayer_lowered:
.L_overlay_start_2:
0x5f: {  	(tag) =	ssettag $0x2  }
0x60: {  	s0 =	rddreg [dreg:$0x0];
	s2 =	stileid.u32  }
0x61: {  	s1 =	rddreg [dreg:$0x1];
	p0 =	sne.s32 s2, $0x0  }
0x62: {  	s3 =	rddreg [dreg:$0x2];
	[bflag:$0x3] =	sbarrier.arrive $0xFFFF;
	s2 =	simm.s32 @!p0 $0x1C01  }
0x63: {  	[timem:s3], [sflag:s2] =	dma.local @!p0 [hbm:s0], s1  }
0x64: {  	s0 =	simm.s32 @!p0 $0x1  }
0x65: {  	_ =	swait.ge @!p0 [sflag:s0], s1  }
0x66: {  	s1 =	ssub.s32 @!p0 $0x0, s1;
	[sflag:s0] =	ssyncset.done @!p0 $0x0  }
0x67: {  	[sflag:s0] =	ssyncadd.s32 @!p0 s1  }
0x68: {  	[bflag:$0x3] =	sbarrier.arrive $0xFFFF  }
0x69: {  	_ =	shalt  }

</sc_bundles>
